<compile_context>
chip_gen: v7x
topology: tpu7x:2x2x1
jax: 0.10.2.dev20260603
libtpu: 0.0.44.dev20260713+nightly
codegen_flags: <defaults>
</compile_context>

<pallas_src>
import functools

import jax
import jax.numpy as jnp
from jax import lax
from jax.experimental import pallas as pl
from jax.experimental.pallas import tpu as pltpu
from jax.experimental.pallas import tpu_sc as plsc

_info = plsc.get_sparse_core_info()
_NC, _NS, _L = _info.num_cores, _info.num_subcores, _info.num_lanes
_NW = _NC * _NS


def _masked_gather(flat_idx, table, *, chunk):
    total = flat_idx.shape[0]
    per_w = total // _NW
    nchunk = per_w // chunk
    mesh = plsc.VectorSubcoreMesh(core_axis_name="c", subcore_axis_name="s")

    @functools.partial(
        pl.kernel,
        mesh=mesh,
        compiler_params=pltpu.CompilerParams(needs_layout_passes=False),
        out_type=jax.ShapeDtypeStruct((total,), jnp.int32),
        scratch_types=[
            pltpu.VMEM((table.shape[0],), jnp.int32),
            pltpu.VMEM((chunk,), jnp.int32),
            pltpu.VMEM((chunk,), jnp.int32),
            pltpu.VMEM((chunk,), jnp.int32),
            pltpu.VMEM((chunk,), jnp.int32),
            pltpu.SemaphoreType.DMA,
            pltpu.SemaphoreType.DMA,
            pltpu.SemaphoreType.DMA,
            pltpu.SemaphoreType.DMA,
        ],
    )
    def k(idx_hbm, table_hbm, out_hbm, table_v, i0, i1, o0, o1,
          si0, si1, so0, so1):
        wid = lax.axis_index("s") * _NC + lax.axis_index("c")
        base = wid * per_w
        ibufs, obufs = (i0, i1), (o0, o1)
        isems, osems = (si0, si1), (so0, so1)
        pltpu.sync_copy(table_hbm, table_v)

        def in_copy(c, b):
            return pltpu.make_async_copy(
                idx_hbm.at[pl.ds(base + c * chunk, chunk)], ibufs[b], isems[b])

        def out_copy(c, b):
            return pltpu.make_async_copy(
                obufs[b], out_hbm.at[pl.ds(base + c * chunk, chunk)], osems[b])

        in_copy(0, 0).start()
        for c in range(nchunk):
            b = c & 1
            in_copy(c, b).wait()
            if c + 1 < nchunk:
                in_copy(c + 1, (c + 1) & 1).start()
            if c >= 2:
                out_copy(c - 2, b).wait()
            ib, ob = ibufs[b], obufs[b]

            @plsc.parallel_loop(0, chunk, step=_L, unroll=16)
            def _gather_body(i):
                ob[pl.ds(i, _L)] = plsc.load_gather(table_v, [ib[pl.ds(i, _L)]])

            out_copy(c, b).start()
        for c in range(max(nchunk - 2, 0), nchunk):
            out_copy(c, c & 1).wait()

    return k(flat_idx, table)


def kernel(atype, type_mask):
    nf, natom = atype.shape
    ntr, ntc = natom // 8, nf // 128
    flat = (atype.T.reshape(ntr, 8, ntc, 128)
            .transpose(0, 2, 1, 3).reshape(-1))
    flat_out = _masked_gather(flat, type_mask, chunk=25600)
    out = (flat_out.reshape(ntr, ntc, 8, 128)
           .transpose(0, 2, 1, 3).reshape(natom, nf).T)
    return out

# --- scband reference (transcript-rebuilt; emitter-appended) ---
"""Pipeline reference for scband-atom-exclude-mask-7078106104117 (READ-ONLY COPY).

The authoritative reference and input builder live on the scoring server;
editing this copy changes nothing except your own understanding.
"""

import jax, jax.numpy as jnp
import numpy as np

NTYPES = 128
EXCLUDE_TYPES = [0, 1, 2]
NF = 16384
NATOM = 200


def setup_inputs(seed: int = 0) -> dict:
    key = jax.random.key(seed)
    atype = jax.random.randint(key, (NF, NATOM), 0, NTYPES, dtype=jnp.int32)
    type_mask = jnp.array(
        [1 if tt_i not in EXCLUDE_TYPES else 0 for tt_i in range(NTYPES)],
        dtype=jnp.int32,
    ).reshape(-1)
    return {"atype": atype, "type_mask": type_mask}


def reference(atype, type_mask):
    # Faithful translation of AtomExcludeMask.forward:
    # mask = self.type_mask[atype].view(nf, natom)
    nf, natom = atype.shape
    mask = jnp.take(type_mask, atype, axis=0)
    return mask.reshape(nf, natom)

if __name__ == "__main__":
    import jax
    _d = setup_inputs()
    print(jax.jit(kernel)(*tuple(_d.values())))

</pallas_src>

<mosaic_0001>
#map = affine_map<(d0, d1) -> (0)>
module attributes {stable_mosaic.version = 14 : i64} {
  func.func @k(%arg0: i32, %arg1: i32, %arg2: memref<3276800xi32, #tpu.memory_space<hbm>>, %arg3: memref<128xi32, #tpu.memory_space<hbm>>, %arg4: memref<3276800xi32, #tpu.memory_space<hbm>>, %arg5: memref<128xi32, #tpu.memory_space<vmem>>, %arg6: memref<25600xi32, #tpu.memory_space<vmem>>, %arg7: memref<25600xi32, #tpu.memory_space<vmem>>, %arg8: memref<25600xi32, #tpu.memory_space<vmem>>, %arg9: memref<25600xi32, #tpu.memory_space<vmem>>, %arg10: memref<!tpu.dma_semaphore, #tpu.memory_space<semaphore_mem>>, %arg11: memref<!tpu.dma_semaphore, #tpu.memory_space<semaphore_mem>>, %arg12: memref<!tpu.dma_semaphore, #tpu.memory_space<semaphore_mem>>, %arg13: memref<!tpu.dma_semaphore, #tpu.memory_space<semaphore_mem>>) attributes {dimension_semantics = [#tpu.dimension_semantics<core_parallel>, #tpu.dimension_semantics<subcore_parallel>], iteration_bounds = array<i64: 2, 16>, scalar_prefetch = 0 : i64, scratch_operands = 9 : i64, tpu.core_type = #tpu.core_type<sc_vector_subcore>, window_params = [{transform_indices = #map}, {transform_indices = #map}, {transform_indices = #map}]} {
    %mul3A = arith.constant 2 : i32
    %mul3A_0 = arith.muli %arg1, %mul3A : i32
    %add3A = arith.addi %mul3A_0, %arg0 : i32
    %mul3A_1 = arith.constant 102400 : i32
    %mul3A_2 = arith.muli %add3A, %mul3A_1 : i32
    "tpu.region"() ({
      %run_scoped3A = tpu.sem_alloc : memref<!tpu.dma_semaphore, #tpu.memory_space<semaphore_mem>>
      tpu.enqueue_dma source(%arg3 : memref<128xi32, #tpu.memory_space<hbm>>) target(%arg5 : memref<128xi32, #tpu.memory_space<vmem>>) target_semaphore(%run_scoped3A : memref<!tpu.dma_semaphore, #tpu.memory_space<semaphore_mem>>)
      tpu.wait_dma2 semaphore(%run_scoped3A : memref<!tpu.dma_semaphore, #tpu.memory_space<semaphore_mem>>) src(%arg3 : memref<128xi32, #tpu.memory_space<hbm>>) dst(%arg5 : memref<128xi32, #tpu.memory_space<vmem>>)
      tpu.yield
    }) : () -> ()
    %add3A_3 = arith.constant 0 : i32
    %add3A_4 = arith.addi %mul3A_2, %add3A_3 : i32
    %dma_start3A = tpu.memref_slice %arg2[%add3A_4] : memref<3276800xi32, #tpu.memory_space<hbm>> -> memref<25600xi32, #tpu.memory_space<hbm>>
    %dma_start3A_5 = tpu.memref_slice %arg2[%add3A_4] : memref<3276800xi32, #tpu.memory_space<hbm>> -> memref<25600xi32, #tpu.memory_space<hbm>>
    tpu.enqueue_dma source(%dma_start3A_5 : memref<25600xi32, #tpu.memory_space<hbm>>) target(%arg6 : memref<25600xi32, #tpu.memory_space<vmem>>) target_semaphore(%arg10 : memref<!tpu.dma_semaphore, #tpu.memory_space<semaphore_mem>>)
    %add3A_6 = arith.constant 0 : i32
    %add3A_7 = arith.addi %mul3A_2, %add3A_6 : i32
    %dma_wait3A = tpu.memref_slice %arg2[%add3A_7] : memref<3276800xi32, #tpu.memory_space<hbm>> -> memref<25600xi32, #tpu.memory_space<hbm>>
    %dma_wait3A_8 = tpu.memref_slice %arg2[%add3A_7] : memref<3276800xi32, #tpu.memory_space<hbm>> -> memref<25600xi32, #tpu.memory_space<hbm>>
    tpu.wait_dma2 semaphore(%arg10 : memref<!tpu.dma_semaphore, #tpu.memory_space<semaphore_mem>>) src(%dma_wait3A_8 : memref<25600xi32, #tpu.memory_space<hbm>>) dst(%arg6 : memref<25600xi32, #tpu.memory_space<vmem>>)
    %add3A_9 = arith.constant 25600 : i32
    %add3A_10 = arith.addi %mul3A_2, %add3A_9 : i32
    %dma_start3A_11 = tpu.memref_slice %arg2[%add3A_10] : memref<3276800xi32, #tpu.memory_space<hbm>> -> memref<25600xi32, #tpu.memory_space<hbm>>
    %dma_start3A_12 = tpu.memref_slice %arg2[%add3A_10] : memref<3276800xi32, #tpu.memory_space<hbm>> -> memref<25600xi32, #tpu.memory_space<hbm>>
    tpu.enqueue_dma source(%dma_start3A_12 : memref<25600xi32, #tpu.memory_space<hbm>>) target(%arg7 : memref<25600xi32, #tpu.memory_space<vmem>>) target_semaphore(%arg11 : memref<!tpu.dma_semaphore, #tpu.memory_space<semaphore_mem>>)
    %parallel_loop3A = arith.constant 0 : i32
    %parallel_loop3A_13 = arith.constant 25600 : i32
    %parallel_loop3A_14 = arith.constant 16 : i32
    scf.for %parallel_loop3A_76 = %parallel_loop3A to %parallel_loop3A_13 step %parallel_loop3A_14  : i32 {
      %parallel_loop3A_77 = arith.index_cast %parallel_loop3A_76 : i32 to index
      %parallel_loop3A_78 = tpu.vector_load %arg6[%parallel_loop3A_77] {strides = array<i32>} : memref<25600xi32, #tpu.memory_space<vmem>>, vector<16xi32>,
      %parallel_loop3A_79 = tpu.vector_load_idx %arg5[%parallel_loop3A_78] : memref<128xi32, #tpu.memory_space<vmem>>[vector<16xi32>], vector<16xi32>,
      %parallel_loop3A_80 = arith.index_cast %parallel_loop3A_76 : i32 to index
      %parallel_loop3A_81 = tpu.vector_load %arg8[%parallel_loop3A_80] {strides = array<i32>} : memref<25600xi32, #tpu.memory_space<vmem>>, vector<16xi32>,
      tpu.vector_store %arg8[%parallel_loop3A_80], %parallel_loop3A_79 {strides = array<i32>} : memref<25600xi32, #tpu.memory_space<vmem>>, vector<16xi32>,
    } {sc.loop_unroll_factor = 16 : i64, sc.parallel_access}
    %add3A_15 = arith.constant 0 : i32
    %add3A_16 = arith.addi %mul3A_2, %add3A_15 : i32
    %dma_start3A_17 = tpu.memref_slice %arg4[%add3A_16] : memref<3276800xi32, #tpu.memory_space<hbm>> -> memref<25600xi32, #tpu.memory_space<hbm>>
    %dma_start3A_18 = tpu.memref_slice %arg4[%add3A_16] : memref<3276800xi32, #tpu.memory_space<hbm>> -> memref<25600xi32, #tpu.memory_space<hbm>>
    tpu.enqueue_dma source(%arg8 : memref<25600xi32, #tpu.memory_space<vmem>>) target(%dma_start3A_18 : memref<25600xi32, #tpu.memory_space<hbm>>) target_semaphore(%arg12 : memref<!tpu.dma_semaphore, #tpu.memory_space<semaphore_mem>>)
    %add3A_19 = arith.constant 25600 : i32
    %add3A_20 = arith.addi %mul3A_2, %add3A_19 : i32
    %dma_wait3A_21 = tpu.memref_slice %arg2[%add3A_20] : memref<3276800xi32, #tpu.memory_space<hbm>> -> memref<25600xi32, #tpu.memory_space<hbm>>
    %dma_wait3A_22 = tpu.memref_slice %arg2[%add3A_20] : memref<3276800xi32, #tpu.memory_space<hbm>> -> memref<25600xi32, #tpu.memory_space<hbm>>
    tpu.wait_dma2 semaphore(%arg11 : memref<!tpu.dma_semaphore, #tpu.memory_space<semaphore_mem>>) src(%dma_wait3A_22 : memref<25600xi32, #tpu.memory_space<hbm>>) dst(%arg7 : memref<25600xi32, #tpu.memory_space<vmem>>)
    %add3A_23 = arith.constant 51200 : i32
    %add3A_24 = arith.addi %mul3A_2, %add3A_23 : i32
    %dma_start3A_25 = tpu.memref_slice %arg2[%add3A_24] : memref<3276800xi32, #tpu.memory_space<hbm>> -> memref<25600xi32, #tpu.memory_space<hbm>>
    %dma_start3A_26 = tpu.memref_slice %arg2[%add3A_24] : memref<3276800xi32, #tpu.memory_space<hbm>> -> memref<25600xi32, #tpu.memory_space<hbm>>
    tpu.enqueue_dma source(%dma_start3A_26 : memref<25600xi32, #tpu.memory_space<hbm>>) target(%arg6 : memref<25600xi32, #tpu.memory_space<vmem>>) target_semaphore(%arg10 : memref<!tpu.dma_semaphore, #tpu.memory_space<semaphore_mem>>)
    %parallel_loop3A_27 = arith.constant 0 : i32
    %parallel_loop3A_28 = arith.constant 25600 : i32
    %parallel_loop3A_29 = arith.constant 16 : i32
    scf.for %parallel_loop3A_76 = %parallel_loop3A_27 to %parallel_loop3A_28 step %parallel_loop3A_29  : i32 {
      %parallel_loop3A_77 = arith.index_cast %parallel_loop3A_76 : i32 to index
      %parallel_loop3A_78 = tpu.vector_load %arg7[%parallel_loop3A_77] {strides = array<i32>} : memref<25600xi32, #tpu.memory_space<vmem>>, vector<16xi32>,
      %parallel_loop3A_79 = tpu.vector_load_idx %arg5[%parallel_loop3A_78] : memref<128xi32, #tpu.memory_space<vmem>>[vector<16xi32>], vector<16xi32>,
      %parallel_loop3A_80 = arith.index_cast %parallel_loop3A_76 : i32 to index
      %parallel_loop3A_81 = tpu.vector_load %arg9[%parallel_loop3A_80] {strides = array<i32>} : memref<25600xi32, #tpu.memory_space<vmem>>, vector<16xi32>,
      tpu.vector_store %arg9[%parallel_loop3A_80], %parallel_loop3A_79 {strides = array<i32>} : memref<25600xi32, #tpu.memory_space<vmem>>, vector<16xi32>,
    } {sc.loop_unroll_factor = 16 : i64, sc.parallel_access}
    %add3A_30 = arith.constant 25600 : i32
    %add3A_31 = arith.addi %mul3A_2, %add3A_30 : i32
    %dma_start3A_32 = tpu.memref_slice %arg4[%add3A_31] : memref<3276800xi32, #tpu.memory_space<hbm>> -> memref<25600xi32, #tpu.memory_space<hbm>>
    %dma_start3A_33 = tpu.memref_slice %arg4[%add3A_31] : memref<3276800xi32, #tpu.memory_space<hbm>> -> memref<25600xi32, #tpu.memory_space<hbm>>
    tpu.enqueue_dma source(%arg9 : memref<25600xi32, #tpu.memory_space<vmem>>) target(%dma_start3A_33 : memref<25600xi32, #tpu.memory_space<hbm>>) target_semaphore(%arg13 : memref<!tpu.dma_semaphore, #tpu.memory_space<semaphore_mem>>)
    %add3A_34 = arith.constant 51200 : i32
    %add3A_35 = arith.addi %mul3A_2, %add3A_34 : i32
    %dma_wait3A_36 = tpu.memref_slice %arg2[%add3A_35] : memref<3276800xi32, #tpu.memory_space<hbm>> -> memref<25600xi32, #tpu.memory_space<hbm>>
    %dma_wait3A_37 = tpu.memref_slice %arg2[%add3A_35] : memref<3276800xi32, #tpu.memory_space<hbm>> -> memref<25600xi32, #tpu.memory_space<hbm>>
    tpu.wait_dma2 semaphore(%arg10 : memref<!tpu.dma_semaphore, #tpu.memory_space<semaphore_mem>>) src(%dma_wait3A_37 : memref<25600xi32, #tpu.memory_space<hbm>>) dst(%arg6 : memref<25600xi32, #tpu.memory_space<vmem>>)
    %add3A_38 = arith.constant 76800 : i32
    %add3A_39 = arith.addi %mul3A_2, %add3A_38 : i32
    %dma_start3A_40 = tpu.memref_slice %arg2[%add3A_39] : memref<3276800xi32, #tpu.memory_space<hbm>> -> memref<25600xi32, #tpu.memory_space<hbm>>
    %dma_start3A_41 = tpu.memref_slice %arg2[%add3A_39] : memref<3276800xi32, #tpu.memory_space<hbm>> -> memref<25600xi32, #tpu.memory_space<hbm>>
    tpu.enqueue_dma source(%dma_start3A_41 : memref<25600xi32, #tpu.memory_space<hbm>>) target(%arg7 : memref<25600xi32, #tpu.memory_space<vmem>>) target_semaphore(%arg11 : memref<!tpu.dma_semaphore, #tpu.memory_space<semaphore_mem>>)
    %add3A_42 = arith.constant 0 : i32
    %add3A_43 = arith.addi %mul3A_2, %add3A_42 : i32
    %dma_wait3A_44 = tpu.memref_slice %arg4[%add3A_43] : memref<3276800xi32, #tpu.memory_space<hbm>> -> memref<25600xi32, #tpu.memory_space<hbm>>
    %dma_wait3A_45 = tpu.memref_slice %arg4[%add3A_43] : memref<3276800xi32, #tpu.memory_space<hbm>> -> memref<25600xi32, #tpu.memory_space<hbm>>
    tpu.wait_dma2 semaphore(%arg12 : memref<!tpu.dma_semaphore, #tpu.memory_space<semaphore_mem>>) src(%arg8 : memref<25600xi32, #tpu.memory_space<vmem>>) dst(%dma_wait3A_45 : memref<25600xi32, #tpu.memory_space<hbm>>)
    %parallel_loop3A_46 = arith.constant 0 : i32
    %parallel_loop3A_47 = arith.constant 25600 : i32
    %parallel_loop3A_48 = arith.constant 16 : i32
    scf.for %parallel_loop3A_76 = %parallel_loop3A_46 to %parallel_loop3A_47 step %parallel_loop3A_48  : i32 {
      %parallel_loop3A_77 = arith.index_cast %parallel_loop3A_76 : i32 to index
      %parallel_loop3A_78 = tpu.vector_load %arg6[%parallel_loop3A_77] {strides = array<i32>} : memref<25600xi32, #tpu.memory_space<vmem>>, vector<16xi32>,
      %parallel_loop3A_79 = tpu.vector_load_idx %arg5[%parallel_loop3A_78] : memref<128xi32, #tpu.memory_space<vmem>>[vector<16xi32>], vector<16xi32>,
      %parallel_loop3A_80 = arith.index_cast %parallel_loop3A_76 : i32 to index
      %parallel_loop3A_81 = tpu.vector_load %arg8[%parallel_loop3A_80] {strides = array<i32>} : memref<25600xi32, #tpu.memory_space<vmem>>, vector<16xi32>,
      tpu.vector_store %arg8[%parallel_loop3A_80], %parallel_loop3A_79 {strides = array<i32>} : memref<25600xi32, #tpu.memory_space<vmem>>, vector<16xi32>,
    } {sc.loop_unroll_factor = 16 : i64, sc.parallel_access}
    %add3A_49 = arith.constant 51200 : i32
    %add3A_50 = arith.addi %mul3A_2, %add3A_49 : i32
    %dma_start3A_51 = tpu.memref_slice %arg4[%add3A_50] : memref<3276800xi32, #tpu.memory_space<hbm>> -> memref<25600xi32, #tpu.memory_space<hbm>>
    %dma_start3A_52 = tpu.memref_slice %arg4[%add3A_50] : memref<3276800xi32, #tpu.memory_space<hbm>> -> memref<25600xi32, #tpu.memory_space<hbm>>
    tpu.enqueue_dma source(%arg8 : memref<25600xi32, #tpu.memory_space<vmem>>) target(%dma_start3A_52 : memref<25600xi32, #tpu.memory_space<hbm>>) target_semaphore(%arg12 : memref<!tpu.dma_semaphore, #tpu.memory_space<semaphore_mem>>)
    %add3A_53 = arith.constant 76800 : i32
    %add3A_54 = arith.addi %mul3A_2, %add3A_53 : i32
    %dma_wait3A_55 = tpu.memref_slice %arg2[%add3A_54] : memref<3276800xi32, #tpu.memory_space<hbm>> -> memref<25600xi32, #tpu.memory_space<hbm>>
    %dma_wait3A_56 = tpu.memref_slice %arg2[%add3A_54] : memref<3276800xi32, #tpu.memory_space<hbm>> -> memref<25600xi32, #tpu.memory_space<hbm>>
    tpu.wait_dma2 semaphore(%arg11 : memref<!tpu.dma_semaphore, #tpu.memory_space<semaphore_mem>>) src(%dma_wait3A_56 : memref<25600xi32, #tpu.memory_space<hbm>>) dst(%arg7 : memref<25600xi32, #tpu.memory_space<vmem>>)
    %add3A_57 = arith.constant 25600 : i32
    %add3A_58 = arith.addi %mul3A_2, %add3A_57 : i32
    %dma_wait3A_59 = tpu.memref_slice %arg4[%add3A_58] : memref<3276800xi32, #tpu.memory_space<hbm>> -> memref<25600xi32, #tpu.memory_space<hbm>>
    %dma_wait3A_60 = tpu.memref_slice %arg4[%add3A_58] : memref<3276800xi32, #tpu.memory_space<hbm>> -> memref<25600xi32, #tpu.memory_space<hbm>>
    tpu.wait_dma2 semaphore(%arg13 : memref<!tpu.dma_semaphore, #tpu.memory_space<semaphore_mem>>) src(%arg9 : memref<25600xi32, #tpu.memory_space<vmem>>) dst(%dma_wait3A_60 : memref<25600xi32, #tpu.memory_space<hbm>>)
    %parallel_loop3A_61 = arith.constant 0 : i32
    %parallel_loop3A_62 = arith.constant 25600 : i32
    %parallel_loop3A_63 = arith.constant 16 : i32
    scf.for %parallel_loop3A_76 = %parallel_loop3A_61 to %parallel_loop3A_62 step %parallel_loop3A_63  : i32 {
      %parallel_loop3A_77 = arith.index_cast %parallel_loop3A_76 : i32 to index
      %parallel_loop3A_78 = tpu.vector_load %arg7[%parallel_loop3A_77] {strides = array<i32>} : memref<25600xi32, #tpu.memory_space<vmem>>, vector<16xi32>,
      %parallel_loop3A_79 = tpu.vector_load_idx %arg5[%parallel_loop3A_78] : memref<128xi32, #tpu.memory_space<vmem>>[vector<16xi32>], vector<16xi32>,
      %parallel_loop3A_80 = arith.index_cast %parallel_loop3A_76 : i32 to index
      %parallel_loop3A_81 = tpu.vector_load %arg9[%parallel_loop3A_80] {strides = array<i32>} : memref<25600xi32, #tpu.memory_space<vmem>>, vector<16xi32>,
      tpu.vector_store %arg9[%parallel_loop3A_80], %parallel_loop3A_79 {strides = array<i32>} : memref<25600xi32, #tpu.memory_space<vmem>>, vector<16xi32>,
    } {sc.loop_unroll_factor = 16 : i64, sc.parallel_access}
    %add3A_64 = arith.constant 76800 : i32
    %add3A_65 = arith.addi %mul3A_2, %add3A_64 : i32
    %dma_start3A_66 = tpu.memref_slice %arg4[%add3A_65] : memref<3276800xi32, #tpu.memory_space<hbm>> -> memref<25600xi32, #tpu.memory_space<hbm>>
    %dma_start3A_67 = tpu.memref_slice %arg4[%add3A_65] : memref<3276800xi32, #tpu.memory_space<hbm>> -> memref<25600xi32, #tpu.memory_space<hbm>>
    tpu.enqueue_dma source(%arg9 : memref<25600xi32, #tpu.memory_space<vmem>>) target(%dma_start3A_67 : memref<25600xi32, #tpu.memory_space<hbm>>) target_semaphore(%arg13 : memref<!tpu.dma_semaphore, #tpu.memory_space<semaphore_mem>>)
    %add3A_68 = arith.constant 51200 : i32
    %add3A_69 = arith.addi %mul3A_2, %add3A_68 : i32
    %dma_wait3A_70 = tpu.memref_slice %arg4[%add3A_69] : memref<3276800xi32, #tpu.memory_space<hbm>> -> memref<25600xi32, #tpu.memory_space<hbm>>
    %dma_wait3A_71 = tpu.memref_slice %arg4[%add3A_69] : memref<3276800xi32, #tpu.memory_space<hbm>> -> memref<25600xi32, #tpu.memory_space<hbm>>
    tpu.wait_dma2 semaphore(%arg12 : memref<!tpu.dma_semaphore, #tpu.memory_space<semaphore_mem>>) src(%arg8 : memref<25600xi32, #tpu.memory_space<vmem>>) dst(%dma_wait3A_71 : memref<25600xi32, #tpu.memory_space<hbm>>)
    %add3A_72 = arith.constant 76800 : i32
    %add3A_73 = arith.addi %mul3A_2, %add3A_72 : i32
    %dma_wait3A_74 = tpu.memref_slice %arg4[%add3A_73] : memref<3276800xi32, #tpu.memory_space<hbm>> -> memref<25600xi32, #tpu.memory_space<hbm>>
    %dma_wait3A_75 = tpu.memref_slice %arg4[%add3A_73] : memref<3276800xi32, #tpu.memory_space<hbm>> -> memref<25600xi32, #tpu.memory_space<hbm>>
    tpu.wait_dma2 semaphore(%arg13 : memref<!tpu.dma_semaphore, #tpu.memory_space<semaphore_mem>>) src(%arg9 : memref<25600xi32, #tpu.memory_space<vmem>>) dst(%dma_wait3A_75 : memref<25600xi32, #tpu.memory_space<hbm>>)
    return
  }
}

</mosaic_0001>

<sc_bundles>
// kernel: kernel.3.cloned.1.call-start
scs
__scs_entry_jumppad:
0x0: {  	(pc) =	sbr.rel $0x88, $3  }
0x1: {  	(tag) =	ssettag $0x0;
	lr =	simm.s32 $0x1  }
0x2: {  	[smem:$0x3F9F] =	sst lr;
	_ =	strace $0xD0000000  }
0x3: {  	_ = 	snop  }
0x4: {  	_ = 	snop  }
0x5: {  	_ = 	snop  }
0x6: {  	_ = 	snop  }
0x7: {  	_ = 	snop  }
__scs_overlays_trampoline_lowered:
0x8: {  	[smem:$0x3FAE] =	sst s0  }
0x9: {  	[smem:$0x3FAF] =	sst s1  }
0xa: {  	[smem:$0x3FB0] =	sst s2  }
0xb: {  	[smem:$0x3FB1] =	sst s3  }
0xc: {  	[smem:$0x3FB2] =	sst s4  }
0xd: {  	[smem:$0x3FB3] =	sst s5  }
0xe: {  	[smem:$0x3FB4] =	sst s6  }
0xf: {  	[smem:$0x3FB5] =	sst s7  }
0x10: {  	[smem:$0x3FB6] =	sst s8  }
0x11: {  	[smem:$0x3FB7] =	sst s9;
	s0 =	simm.s32 @!p0 $0x0  }
0x12: {  	s1 =	sld [smem:$0x3F9D];
	s0 =	simm.s32 @p0 $0x1  }
0x13: {  	[smem:$0x3FB8] =	sst s0;
	s0 =	simm.s32 @!p1 $0x0  }
0x14: {  	s2 =	sld [smem:$0x3F9C];
	s0 =	simm.s32 @p1 $0x1  }
0x15: {  	[smem:$0x3FB9] =	sst s0;
	s0 =	simm.s32 @!p2 $0x0  }
0x16: {  	s3 =	sld [smem:$0x3FDB];
	s0 =	simm.s32 @p2 $0x1  }
0x17: {  	s4 =	simm.s32 $0x1BF5;
	[smem:$0x3FBB] =	sst s0  }
0x18: {  	s0 =	sld [smem:$0x3F9E];
	_ =	swait.ge [sflag:s4], $0x0  }
0x19: {  	s7 =	sld [smem:$0x3F9F]  }
0x1a: {  	s8 =	sadd.s32 $0xFFFFE003, lr  }
0x1b: {  	s9 =	sadd.s32 $0xFFFFFEF7, lr;
	s5 =	simm.s32 $0xFFFFFFFF;
	p2 =	slt.u32 s8, $0xFFFFF086  }
0x1c: {  	p1 =	slt.u32 s9, $0xF7A;
	s5 =	simm.s32 @!p2 $0x0  }
0x1d: {  	s5 =	simm.s32 @p1 $0x1;
	p0 =	seq.s32 s7, s2  }
0x1e: {  	s7 =	smul.u32 @!p0 $0xF7A, s2;
	p2 =	seq.s32 @!p0 s5, $0x0  }
0x1f: {  	s9 =	smul.u32 $0xF7A, s1;
	s8 =	simm.s32 @!p0 $0x1BF5;
	p2 =	por !p2, p0  }
0x20: {  	[sflag:s8] =	ssyncset.s32 @!p0 $0xFFFFF086;
	s6 =	sadd.s32 @!p0 s3, s7;
	s7 =	simm.s32 @!p0 $0x108  }
0x21: {  	s3 =	sadd.s32 s3, s9;
	s6 =	sadd.s32 @!p0 $0x88, s6;
	s7 =	simm.s32 @p2 $0x1082  }
0x22: {  	[simem:s7], [sflag:s8] =	dma.local @!p0 [hbm:s6], $0xF7A  }
0x23: {  	s9 =	sor.u32 $0xD0000000, s2;
	s6 =	simm.s32 $0x108;
	_ =	swait.ge @!p0 [sflag:s8], $0x0  }
0x24: {  	s3 =	sadd.s32 $0x88, s3;
	s6 =	simm.s32 @!p1 $0x1082;
	[sflag:s4] =	ssyncset.s32 $0xFFFFF086  }
0x25: {  	[simem:s6], [sflag:s4] =	dma.local [hbm:s3], $0xF7A  }
0x26: {  	[smem:$0x3F9F] =	sst s1;
	(tag) =	ssettag s2;
	_ =	strace s9  }
0x27: {  	s1 =	sld [smem:$0x3FAF]  }
0x28: {  	s2 =	sld [smem:$0x3FB0]  }
0x29: {  	s4 =	sld [smem:$0x3FB2]  }
0x2a: {  	p0 =	seq.s32 s5, $0x0;
	s5 =	sld [smem:$0x3FB3]  }
0x2b: {  	s6 =	sld [smem:$0x3FB4]  }
0x2c: {  	s7 =	sld [smem:$0x3FB5]  }
0x2d: {  	s3 =	simm.s32 $0x108;
	s8 =	sld [smem:$0x3FB6]  }
0x2e: {  	s3 =	simm.s32 @!p0 $0x1082;
	s9 =	sld [smem:$0x3FB7]  }
0x2f: {  	lr =	sadd.s32 s0, s3;
	s0 =	sld [smem:$0x3FAE]  }
0x30: {  	s3 =	sld [smem:$0x3FB1]  }
0x31: {  	[smem:$0x3FBA] =	sst s10  }
0x32: {  	s10 =	sld [smem:$0x3FB8];
	_ =	sdelay $0x3  }
0x33: {  	p0 =	seq.s32 s10, $0x1;
	s10 =	sld [smem:$0x3FBA];
	_ =	sdelay $0x3  }
0x34: {  	[smem:$0x3FBA] =	sst s10  }
0x35: {  	s10 =	sld [smem:$0x3FB9];
	_ =	sdelay $0x3  }
0x36: {  	p1 =	seq.s32 s10, $0x1;
	s10 =	sld [smem:$0x3FBA];
	_ =	sdelay $0x3  }
0x37: {  	[smem:$0x3FBA] =	sst s10  }
0x38: {  	s10 =	sld [smem:$0x3FBB]  }
0x39: {  	_ = 	snop;
	(pc) =	sbr.ind lr, $3  }
0x3a: {  	_ = 	snop  }
0x3b: {  	_ = 	snop  }
0x3c: {  	p2 =	seq.s32 s10, $0x1;
	s10 =	sld [smem:$0x3FBA]  }
0x3d: {  	_ =	shalt  }
0x3e: {  	_ =	shalt  }
0x3f: {  	_ =	shalt  }
0x40: {  	_ =	shalt  }
0x41: {  	_ =	shalt  }
0x42: {  	_ =	shalt  }
0x43: {  	_ =	shalt  }
0x44: {  	_ =	shalt  }
0x45: {  	_ =	shalt  }
0x46: {  	_ =	shalt  }
0x47: {  	_ =	shalt  }
0x48: {  	_ =	shalt  }
0x49: {  	_ =	shalt  }
0x4a: {  	_ =	shalt  }
0x4b: {  	_ =	shalt  }
0x4c: {  	_ =	shalt  }
0x4d: {  	_ =	shalt  }
0x4e: {  	_ =	shalt  }
0x4f: {  	_ =	shalt  }
0x50: {  	_ =	shalt  }
0x51: {  	_ =	shalt  }
0x52: {  	_ =	shalt  }
0x53: {  	_ =	shalt  }
0x54: {  	_ =	shalt  }
0x55: {  	_ =	shalt  }
0x56: {  	_ =	shalt  }
0x57: {  	_ =	shalt  }
0x58: {  	_ =	shalt  }
0x59: {  	_ =	shalt  }
0x5a: {  	_ =	shalt  }
0x5b: {  	_ =	shalt  }
0x5c: {  	_ =	shalt  }
0x5d: {  	_ =	shalt  }
0x5e: {  	_ =	shalt  }
0x5f: {  	_ =	shalt  }
0x60: {  	_ =	shalt  }
0x61: {  	_ =	shalt  }
0x62: {  	_ =	shalt  }
0x63: {  	_ =	shalt  }
0x64: {  	_ =	shalt  }
0x65: {  	_ =	shalt  }
0x66: {  	_ =	shalt  }
0x67: {  	_ =	shalt  }
0x68: {  	_ =	shalt  }
0x69: {  	_ =	shalt  }
0x6a: {  	_ =	shalt  }
0x6b: {  	_ =	shalt  }
0x6c: {  	_ =	shalt  }
0x6d: {  	_ =	shalt  }
0x6e: {  	_ =	shalt  }
0x6f: {  	_ =	shalt  }
0x70: {  	_ =	shalt  }
0x71: {  	_ =	shalt  }
0x72: {  	_ =	shalt  }
0x73: {  	_ =	shalt  }
0x74: {  	_ =	shalt  }
0x75: {  	_ =	shalt  }
0x76: {  	_ =	shalt  }
0x77: {  	_ =	shalt  }
0x78: {  	_ =	shalt  }
0x79: {  	_ =	shalt  }
0x7a: {  	_ =	shalt  }
0x7b: {  	_ =	shalt  }
0x7c: {  	_ =	shalt  }
0x7d: {  	_ =	shalt  }
0x7e: {  	_ =	shalt  }
0x7f: {  	_ =	shalt  }
0x80: {  	_ =	shalt  }
0x81: {  	_ =	shalt  }
0x82: {  	_ =	shalt  }
0x83: {  	_ =	shalt  }
0x84: {  	_ =	shalt  }
0x85: {  	_ =	shalt  }
0x86: {  	_ =	shalt  }
0x87: {  	_ =	shalt  }
.Lfunc_end0:
.L_simem_size_0:
called_computation_lowered:
.L_overlay_start_0:
0x88: {  	s2 =	sld [smem:$0x3FD9]  }
0x89: {  	s3 =	sld [smem:$0x3FFE];
	_ =	sdelay $0x1  }
0x8a: {  	s1 =	srdreg.scid  }
0x8b: {  	s0 =	sand.u32 $0x1, s1  }
0x8c: {  	s18 =	sshll.u32 s0, $0xA;
	s2 =	sadd.s32 s3, s2  }
0x8d: {  	s2 =	sadd.s32 s2, s18  }
0x8e: {  	[smem:$0x3FC6] =	sst s2  }
0x8f: {  	_ = 	snop  }
0x90: {  	s2 =	sld [smem:$0x3FC9]  }
0x91: {  	s19 =	sld [smem:$0x3FC8]  }
0x92: {  	s4 =	sld [smem:$0x3FD0];
	(tm) =	ssettm $0x1  }
0x93: {  	s5 =	sld [smem:$0x3FFB];
	_ =	sdelay $0x3  }
0x94: {  	_ =	strace s5  }
0x95: {  	s5 =	sld [smem:$0x3FFC];
	_ =	sdelay $0x3  }
0x96: {  	_ =	strace s5  }
0x97: {  	s5 =	sld [smem:$0x3FFD];
	_ =	sdelay $0x3  }
0x98: {  	_ =	strace s5  }
0x99: {  	_ =	strace $0x8FFFFFFF  }
0x9a: {  	s20 =	sld [smem:$0x3FDB];
	_ =	sdelay $0x1  }
0x9b: {  	s6 =	simm.s32 $_scs_section_size  }
0x9c: {  	s7 =	simm.s32 $_size__tile_overlayer_lowered;
	s8 =	simm.s32 $_tile_overlayer_lowered  }
0x9d: {  	s23 =	simm.s32 $0x1BFF;
	s22 =	sshll.u32 s8, $0x1;
	s5 =	sadd.s32 s6, s20  }
0x9e: {  	s9 =	simm.s32 $0x0;
	s21 =	sshll.u32 s7, $0x1;
	s7 =	sadd.s32 s22, s5  }
0x9f: {  	[timem:s9], [sflag:s23] =	dma.local [hbm:s7], s21  }
0xa0: {  	_ =	swait.ge [sflag:s23], s21  }
0xa1: {  	s6 =	ssub.s32 $0x0, s21;
	[sflag:s23] =	ssyncset.done $0x0  }
0xa2: {  	[sflag:s23] =	ssyncadd.s32 s6;
	_ =	sdelay $0x1  }
0xa3: {  	s24 =	simm.s32 $0x1B8B  }
0xa4: {  	_ =	swait.ge [sflag:s24], $0x1  }
0xa5: {  	[sflag:s24] =	ssyncset.done $0x0  }
0xa6: {  	s25 =	simm.s32 $0x1B8E;
	[sflag:s24] =	ssyncadd.s32 $0xFFFFFFFF  }
0xa7: {  	s26 =	simm.s32 $execute0_lowered;
	[smem:$0x3FD2] =	sst s25  }
0xa8: {  	s6 =	sshll.u32 s26, $0x1;
	_ =	strace $0x80000046;
	[dreg:$0x1] =	wrdreg $0xFFFFFFFF  }
0xa9: {  	s28 =	simm.s32 $_size_execute0_lowered;
	s5 =	sadd.s32 s5, s6;
	[dreg:$0x0] =	wrdreg $0x0  }
0xaa: {  	s6 =	sshll.u32 s28, $0x1;
	[dreg:$0x2] =	wrdreg s5  }
0xab: {  	[dreg:$0x3] =	wrdreg s6  }
0xac: {  	[dreg:$0x4] =	wrdreg $0xC0  }
0xad: {  	_ =	task [dreg:s9], $0x5FFFF  }
0xae: {  	[dreg:$0x1] =	wrdreg $0xFFFFFFFF  }
0xaf: {  	[dreg:$0x0] =	wrdreg $0x60  }
0xb0: {  	[dreg:$0x2] =	wrdreg s2  }
0xb1: {  	[dreg:$0x3] =	wrdreg s19  }
0xb2: {  	[dreg:$0x4] =	wrdreg s4  }
0xb3: {  	[dreg:$0x5] =	wrdreg $0x9  }
0xb4: {  	_ =	task.clear_ibuf [dreg:s9], $0x6FFFF;
	_ =	strace $0x90000046  }
0xb5: {  	s29 =	simm.s32 $0x9;
	_ =	strace $0x80000048  }
0xb6: {  	_ =	swait.ge [sflag:s29], $0x1  }
0xb7: {  	[sflag:s29] =	ssyncadd.s32 $0xFFFFFFFF  }
0xb8: {  	_ =	strace $0x90000048  }
0xb9: {  	_ =	sfence  }
0xba: {  	s30 =	sld [smem:$0x0];
	_ =	sdelay $0x2  }
0xbb: {  	s31 =	sshll.u32 s1, $0xD;
	s1 =	sshrl.u32 s1, $0x2  }
0xbc: {  	s3 =	sand.u32 $0x4000, s31;
	s1 =	sadd.s32 s1, s30  }
0xbd: {  	s0 =	sor.u32 s3, s0;
	s1 =	sshll.u32 s1, $0x11  }
0xbe: {  	s0 =	sor.u32 s1, s0  }
0xbf: {  	s0 =	sadd.s32 $0x8F2B, s0  }
0xc0: {  	[sflag:s0] =	ssyncadd.remote.s32 $0x1  }
0xc1: {  	_ =	sfence.sel $0xFFFF  }
0xc2: {  	[dreg:$0x0] =	wrdreg $0xFFFFFFFF;
	(pc) =	sbr.abs _section_cstart, $3  }
0xc3: {  	[dreg:$0x1] =	wrdreg $0xFFFFFFFF  }
0xc4: {  	_ =	task.clear_ibuf [dreg:s9], $0x2FFFF;
	_ =	strace $0x9FFFFFFF  }
0xc5: {  	(tm) =	ssettm $0x7FFFFFFF  }
tec
execute0_lowered:
.L_overlay_start_1:
0x0: {  	(tag) =	ssettag $0x1  }
0x1: {  	s9 =	rddreg [dreg:$0x0]  }
0x2: {  	s1 =	srdreg.scid;
	s2 =	rddreg [dreg:$0x1]  }
0x3: {  	s0 =	stileid.u32;
	s11 =	rddreg [dreg:$0x2];
	s3 =	simm.s32 $0x0  }
0x4: {  	s15 =	simm.s32 $0x1;
	s16 =	simm.s32 $0x6480;
	s17 =	simm.s32 $0xC880  }
0x5: {  	s18 =	simm.s32 $0x2;
	s4 =	sand.u32 $0x1, s1;
	s31 =	sshll.u32 s0, $0x1  }
0x6: {  	s19 =	simm.s32 $0x12C80;
	s20 =	simm.s32 $0x3;
	s1 =	sor.u32 s4, s31  }
0x7: {  	s21 =	simm.s32 $0x4;
	s4 =	ssub.s32 $0x2, s4;
	s5 =	smul.u32 $0x19000, s1  }
0x8: {  	s22 =	simm.s32 $0x0;
	[smem:$0x7FF] =	sst s3;
	s6 =	sshrl.u32 s4, $0x1  }
0x9: {  	s1 =	rddreg [dreg:$0x3];
	s12 =	ssub.s32 s4, s6;
	s8 =	sshrl.u32 s5, $0x3  }
0xa: {  	_ =	strace $0x80000047;
	s12 =	smax.u32 s12, $0x1;
	s10 =	sadd.s32 $0xC80, s8  }
0xb: {  	s4 =	sadd.s32 s9, s8;
	s13 =	sadd.s32 $0x1900, s8;
	s6 =	sadd.s32 s11, s8  }
0xc: {  	s14 =	sadd.s32 $0x2580, s8;
	s5 =	sadd.s32 s9, s10;
	s7 =	sadd.s32 s9, s13  }
0xd: {  	s8 =	sadd.s32 s11, s10;
	s9 =	sadd.s32 s9, s14;
	s10 =	sadd.s32 s11, s13  }
0xe: {  	s11 =	sadd.s32 s11, s14;
	s13 =	simm.s32 $0x5;
	s14 =	simm.s32 $0x80  }
.LBB2_1:
0xf: {  	[tilespmem:s3], [sflag:$0x5] =	stream.linear.gather [hbm4b:s2+s3], $0x80, $0x38;
	[tilespmem:$0x19080] =	vst v63  }
0x10: {  	_ =	swait.ge [sflag:s13], $0x80  }
0x11: {  	[sflag:s13] =	ssyncset.done $0x0  }
0x12: {  	[sflag:s13] =	ssyncadd.s32 $0xFFFFFF80  }
0x13: {  	[tilespmem:s14], [sflag:$0x1] =	stream.linear.gather [hbm4b:s4+s3], $0x6400, $0x38;
	[tilespmem:$0x19080] =	vst v63  }
0x14: {  	_ =	swait.ge [sflag:s15], $0x6400  }
0x15: {  	[sflag:s15] =	ssyncset.done $0x0  }
0x16: {  	s23 =	simm.s32 $0x100;
	[sflag:s15] =	ssyncadd.s32 $0xFFFF9C00  }
0x17: {  	[tilespmem:s16], [sflag:$0x2] =	stream.linear.gather [hbm4b:s5+s3], $0x6400, $0x38;
	[tilespmem:$0x19080] =	vst v63  }
0x18: {  	v0 =	vld [tilespmem:s23+$0x70]  }
0x19: {  	v1 =	vld [tilespmem:s23+$0xFFFFFF90]  }
0x1a: {  	v2 =	vld [tilespmem:s23+$0xFFFFFFA0]  }
0x1b: {  	v3 =	vld [tilespmem:s23+$0xFFFFFFB0]  }
0x1c: {  	v4 =	vld [tilespmem:s23+$0xFFFFFFC0]  }
0x1d: {  	v5 =	vld [tilespmem:s23+$0xFFFFFFD0]  }
0x1e: {  	v6 =	vld [tilespmem:s23+$0xFFFFFFE0]  }
0x1f: {  	v7 =	vld [tilespmem:s23+$0xFFFFFFF0]  }
0x20: {  	v8 =	vld [tilespmem:s23+$0x0]  }
0x21: {  	v9 =	vld [tilespmem:s23+$0x10]  }
0x22: {  	v10 =	vld [tilespmem:s23+$0x20]  }
0x23: {  	v11 =	vld [tilespmem:s23+$0x30]  }
0x24: {  	v12 =	vld [tilespmem:s23+$0x40]  }
0x25: {  	v13 =	vld [tilespmem:s23+$0x50]  }
0x26: {  	v14 =	vld [tilespmem:s23+$0x60]  }
0x27: {  	v15 =	vld [tilespmem:s23+$0xFFFFFF80]  }
0x28: {  	v0 =	vld.idx.msk [tilespmem:v0+s3+$0x0], $0xffff  }
0x29: {  	v1 =	vld.idx.msk [tilespmem:v1+s3+$0x0], $0xffff  }
0x2a: {  	v2 =	vld.idx.msk [tilespmem:v2+s3+$0x0], $0xffff  }
0x2b: {  	v3 =	vld.idx.msk [tilespmem:v3+s3+$0x0], $0xffff  }
0x2c: {  	v4 =	vld.idx.msk [tilespmem:v4+s3+$0x0], $0xffff  }
0x2d: {  	s23 =	simm.s32 $0xC900;
	v5 =	vld.idx.msk [tilespmem:v5+s3+$0x0], $0xffff  }
0x2e: {  	v6 =	vld.idx.msk [tilespmem:v6+s3+$0x0], $0xffff;
	[tilespmem:s23+$0x70] =	vst v0  }
0x2f: {  	v7 =	vld.idx.msk [tilespmem:v7+s3+$0x0], $0xffff;
	[tilespmem:s23+$0xFFFFFF90] =	vst v1  }
0x30: {  	v15 =	vld.idx.msk [tilespmem:v15+s3+$0x0], $0xffff;
	[tilespmem:s23+$0xFFFFFFA0] =	vst v2  }
0x31: {  	v8 =	vld.idx.msk [tilespmem:v8+s3+$0x0], $0xffff;
	[tilespmem:s23+$0xFFFFFFB0] =	vst v3  }
0x32: {  	[tilespmem:s23+$0xFFFFFFC0] =	vst v4;
	v0 =	vld.idx.msk [tilespmem:v9+s3+$0x0], $0xffff  }
0x33: {  	[tilespmem:s23+$0xFFFFFFD0] =	vst v5;
	v1 =	vld.idx.msk [tilespmem:v10+s3+$0x0], $0xffff  }
0x34: {  	[tilespmem:s23+$0xFFFFFFE0] =	vst v6;
	v2 =	vld.idx.msk [tilespmem:v11+s3+$0x0], $0xffff  }
0x35: {  	[tilespmem:s23+$0xFFFFFFF0] =	vst v7;
	v3 =	vld.idx.msk [tilespmem:v12+s3+$0x0], $0xffff  }
0x36: {  	[tilespmem:s23+$0xFFFFFF80] =	vst v15;
	v4 =	vld.idx.msk [tilespmem:v13+s3+$0x0], $0xffff  }
0x37: {  	s24 =	simm.s32 $0x0;
	s25 =	simm.s32 $0x200;
	[tilespmem:s23+$0x0] =	vst v8;
	v5 =	vld.idx.msk [tilespmem:v14+s3+$0x0], $0xffff  }
.LBB2_2:
0x38: {  	v6 =	vld [tilespmem:s25+$0x70];
	s24 =	sadd.s32 $0x100, s24;
	[tilespmem:s23+$0x10] =	vst v0  }
0x39: {  	v0 =	vld [tilespmem:s25+$0xFFFFFF90];
	p0 =	slt.u32 s24, $0x6300;
	[tilespmem:s23+$0x20] =	vst v1  }
0x3a: {  	v1 =	vld [tilespmem:s25+$0xFFFFFFA0];
	[tilespmem:s23+$0x30] =	vst v2  }
0x3b: {  	v2 =	vld [tilespmem:s25+$0xFFFFFFB0];
	[tilespmem:s23+$0x40] =	vst v3  }
0x3c: {  	v3 =	vld [tilespmem:s25+$0xFFFFFFC0];
	[tilespmem:s23+$0x50] =	vst v4  }
0x3d: {  	v4 =	vld [tilespmem:s25+$0xFFFFFFD0];
	[tilespmem:s23+$0x60] =	vst v5  }
0x3e: {  	v5 =	vld [tilespmem:s25+$0xFFFFFFE0]  }
0x3f: {  	v7 =	vld [tilespmem:s25+$0xFFFFFFF0]  }
0x40: {  	v6 =	vld.idx.msk [tilespmem:v6+s3+$0x0], $0xffff  }
0x41: {  	v8 =	vld [tilespmem:s25+$0x0]  }
0x42: {  	v9 =	vld [tilespmem:s25+$0x10]  }
0x43: {  	v10 =	vld [tilespmem:s25+$0x20]  }
0x44: {  	v11 =	vld [tilespmem:s25+$0x30]  }
0x45: {  	s23 =	sadd.s32 $0x100, s23;
	v12 =	vld [tilespmem:s25+$0x40]  }
0x46: {  	v13 =	vld [tilespmem:s25+$0x50];
	[tilespmem:s23+$0x70] =	vst v6  }
0x47: {  	v6 =	vld [tilespmem:s25+$0x60]  }
0x48: {  	v14 =	vld [tilespmem:s25+$0xFFFFFF80]  }
0x49: {  	v0 =	vld.idx.msk [tilespmem:v0+s3+$0x0], $0xffff  }
0x4a: {  	v1 =	vld.idx.msk [tilespmem:v1+s3+$0x0], $0xffff  }
0x4b: {  	v2 =	vld.idx.msk [tilespmem:v2+s3+$0x0], $0xffff  }
0x4c: {  	v3 =	vld.idx.msk [tilespmem:v3+s3+$0x0], $0xffff  }
0x4d: {  	v4 =	vld.idx.msk [tilespmem:v4+s3+$0x0], $0xffff  }
0x4e: {  	v5 =	vld.idx.msk [tilespmem:v5+s3+$0x0], $0xffff  }
0x4f: {  	[tilespmem:s23+$0xFFFFFF90] =	vst v0;
	v7 =	vld.idx.msk [tilespmem:v7+s3+$0x0], $0xffff  }
0x50: {  	v14 =	vld.idx.msk [tilespmem:v14+s3+$0x0], $0xffff;
	[tilespmem:s23+$0xFFFFFFA0] =	vst v1  }
0x51: {  	[tilespmem:s23+$0xFFFFFFB0] =	vst v2;
	v8 =	vld.idx.msk [tilespmem:v8+s3+$0x0], $0xffff  }
0x52: {  	[tilespmem:s23+$0xFFFFFFC0] =	vst v3;
	v0 =	vld.idx.msk [tilespmem:v9+s3+$0x0], $0xffff  }
.Ltmp0:
0x53: {  	[tilespmem:s23+$0xFFFFFFD0] =	vst v4;
	v1 =	vld.idx.msk [tilespmem:v10+s3+$0x0], $0xffff;
	(pc) =	sbr.rel @p0 .LBB2_2-.Ltmp0, $4  }
0x54: {  	[tilespmem:s23+$0xFFFFFFE0] =	vst v5;
	v2 =	vld.idx.msk [tilespmem:v11+s3+$0x0], $0xffff  }
0x55: {  	[tilespmem:s23+$0xFFFFFFF0] =	vst v7;
	v3 =	vld.idx.msk [tilespmem:v12+s3+$0x0], $0xffff  }
0x56: {  	[tilespmem:s23+$0xFFFFFF80] =	vst v14;
	v4 =	vld.idx.msk [tilespmem:v13+s3+$0x0], $0xffff  }
0x57: {  	s25 =	sadd.s32 $0x100, s25;
	[tilespmem:s23+$0x0] =	vst v8;
	v5 =	vld.idx.msk [tilespmem:v6+s3+$0x0], $0xffff  }
0x58: {  	[tilespmem:s23+$0x10] =	vst v0  }
0x59: {  	[tilespmem:s23+$0x20] =	vst v1  }
0x5a: {  	[tilespmem:s23+$0x30] =	vst v2  }
0x5b: {  	[tilespmem:s23+$0x40] =	vst v3  }
0x5c: {  	[tilespmem:s23+$0x50] =	vst v4  }
0x5d: {  	[tilespmem:s23+$0x60] =	vst v5  }
0x5e: {  	[hbm4b:s6+s3] =	stream.linear.scatter [tilespmem:s17], [sflag:$0x3], $0x6400, $0x38;
	[tilespmem:$0x19080] =	vst v63  }
0x5f: {  	_ =	swait.ge [sflag:s18], $0x6400  }
0x60: {  	[sflag:s18] =	ssyncset.done $0x0  }
0x61: {  	s31 =	simm.s32 $0x6500;
	[sflag:s18] =	ssyncadd.s32 $0xFFFF9C00  }
0x62: {  	[tilespmem:s14], [sflag:$0x1] =	stream.linear.gather [hbm4b:s7+s3], $0x6400, $0x38;
	[tilespmem:$0x19080] =	vst v63  }
0x63: {  	v0 =	vld [tilespmem:s31+$0x70]  }
0x64: {  	v1 =	vld [tilespmem:s31+$0xFFFFFF90]  }
0x65: {  	v2 =	vld [tilespmem:s31+$0xFFFFFFA0]  }
0x66: {  	v3 =	vld [tilespmem:s31+$0xFFFFFFB0]  }
0x67: {  	v4 =	vld [tilespmem:s31+$0xFFFFFFC0]  }
0x68: {  	v5 =	vld [tilespmem:s31+$0xFFFFFFD0]  }
0x69: {  	v6 =	vld [tilespmem:s31+$0xFFFFFFE0]  }
0x6a: {  	v7 =	vld [tilespmem:s31+$0xFFFFFFF0]  }
0x6b: {  	v8 =	vld [tilespmem:s31+$0x0]  }
0x6c: {  	v9 =	vld [tilespmem:s31+$0x10]  }
0x6d: {  	v10 =	vld [tilespmem:s31+$0x20]  }
0x6e: {  	v11 =	vld [tilespmem:s31+$0x30]  }
0x6f: {  	v12 =	vld [tilespmem:s31+$0x40]  }
0x70: {  	v13 =	vld [tilespmem:s31+$0x50]  }
0x71: {  	v14 =	vld [tilespmem:s31+$0x60]  }
0x72: {  	v15 =	vld [tilespmem:s31+$0xFFFFFF80]  }
0x73: {  	v0 =	vld.idx.msk [tilespmem:v0+s3+$0x0], $0xffff  }
0x74: {  	v1 =	vld.idx.msk [tilespmem:v1+s3+$0x0], $0xffff  }
0x75: {  	v2 =	vld.idx.msk [tilespmem:v2+s3+$0x0], $0xffff  }
0x76: {  	v3 =	vld.idx.msk [tilespmem:v3+s3+$0x0], $0xffff  }
0x77: {  	v4 =	vld.idx.msk [tilespmem:v4+s3+$0x0], $0xffff  }
0x78: {  	s23 =	simm.s32 $0x12D00;
	v5 =	vld.idx.msk [tilespmem:v5+s3+$0x0], $0xffff  }
0x79: {  	v6 =	vld.idx.msk [tilespmem:v6+s3+$0x0], $0xffff;
	[tilespmem:s23+$0x70] =	vst v0  }
0x7a: {  	v7 =	vld.idx.msk [tilespmem:v7+s3+$0x0], $0xffff;
	[tilespmem:s23+$0xFFFFFF90] =	vst v1  }
0x7b: {  	v15 =	vld.idx.msk [tilespmem:v15+s3+$0x0], $0xffff;
	[tilespmem:s23+$0xFFFFFFA0] =	vst v2  }
0x7c: {  	v8 =	vld.idx.msk [tilespmem:v8+s3+$0x0], $0xffff;
	[tilespmem:s23+$0xFFFFFFB0] =	vst v3  }
0x7d: {  	[tilespmem:s23+$0xFFFFFFC0] =	vst v4;
	v0 =	vld.idx.msk [tilespmem:v9+s3+$0x0], $0xffff  }
0x7e: {  	[tilespmem:s23+$0xFFFFFFD0] =	vst v5;
	v1 =	vld.idx.msk [tilespmem:v10+s3+$0x0], $0xffff  }
0x7f: {  	[tilespmem:s23+$0xFFFFFFE0] =	vst v6;
	v2 =	vld.idx.msk [tilespmem:v11+s3+$0x0], $0xffff  }
0x80: {  	[tilespmem:s23+$0xFFFFFFF0] =	vst v7;
	v3 =	vld.idx.msk [tilespmem:v12+s3+$0x0], $0xffff  }
0x81: {  	[tilespmem:s23+$0xFFFFFF80] =	vst v15;
	v4 =	vld.idx.msk [tilespmem:v13+s3+$0x0], $0xffff  }
0x82: {  	s24 =	simm.s32 $0x0;
	s25 =	simm.s32 $0x6600;
	[tilespmem:s23+$0x0] =	vst v8;
	v5 =	vld.idx.msk [tilespmem:v14+s3+$0x0], $0xffff  }
.LBB2_4:
0x83: {  	v6 =	vld [tilespmem:s25+$0x70];
	s24 =	sadd.s32 $0x100, s24;
	[tilespmem:s23+$0x10] =	vst v0  }
0x84: {  	v0 =	vld [tilespmem:s25+$0xFFFFFF90];
	p0 =	slt.u32 s24, $0x6300;
	[tilespmem:s23+$0x20] =	vst v1  }
0x85: {  	v1 =	vld [tilespmem:s25+$0xFFFFFFA0];
	[tilespmem:s23+$0x30] =	vst v2  }
0x86: {  	v2 =	vld [tilespmem:s25+$0xFFFFFFB0];
	[tilespmem:s23+$0x40] =	vst v3  }
0x87: {  	v3 =	vld [tilespmem:s25+$0xFFFFFFC0];
	[tilespmem:s23+$0x50] =	vst v4  }
0x88: {  	v4 =	vld [tilespmem:s25+$0xFFFFFFD0];
	[tilespmem:s23+$0x60] =	vst v5  }
0x89: {  	v5 =	vld [tilespmem:s25+$0xFFFFFFE0]  }
0x8a: {  	v7 =	vld [tilespmem:s25+$0xFFFFFFF0]  }
0x8b: {  	v6 =	vld.idx.msk [tilespmem:v6+s3+$0x0], $0xffff  }
0x8c: {  	v8 =	vld [tilespmem:s25+$0x0]  }
0x8d: {  	v9 =	vld [tilespmem:s25+$0x10]  }
0x8e: {  	v10 =	vld [tilespmem:s25+$0x20]  }
0x8f: {  	v11 =	vld [tilespmem:s25+$0x30]  }
0x90: {  	s23 =	sadd.s32 $0x100, s23;
	v12 =	vld [tilespmem:s25+$0x40]  }
0x91: {  	v13 =	vld [tilespmem:s25+$0x50];
	[tilespmem:s23+$0x70] =	vst v6  }
0x92: {  	v6 =	vld [tilespmem:s25+$0x60]  }
0x93: {  	v14 =	vld [tilespmem:s25+$0xFFFFFF80]  }
0x94: {  	v0 =	vld.idx.msk [tilespmem:v0+s3+$0x0], $0xffff  }
0x95: {  	v1 =	vld.idx.msk [tilespmem:v1+s3+$0x0], $0xffff  }
0x96: {  	v2 =	vld.idx.msk [tilespmem:v2+s3+$0x0], $0xffff  }
0x97: {  	v3 =	vld.idx.msk [tilespmem:v3+s3+$0x0], $0xffff  }
0x98: {  	v4 =	vld.idx.msk [tilespmem:v4+s3+$0x0], $0xffff  }
0x99: {  	v5 =	vld.idx.msk [tilespmem:v5+s3+$0x0], $0xffff  }
0x9a: {  	[tilespmem:s23+$0xFFFFFF90] =	vst v0;
	v7 =	vld.idx.msk [tilespmem:v7+s3+$0x0], $0xffff  }
0x9b: {  	v14 =	vld.idx.msk [tilespmem:v14+s3+$0x0], $0xffff;
	[tilespmem:s23+$0xFFFFFFA0] =	vst v1  }
0x9c: {  	[tilespmem:s23+$0xFFFFFFB0] =	vst v2;
	v8 =	vld.idx.msk [tilespmem:v8+s3+$0x0], $0xffff  }
0x9d: {  	[tilespmem:s23+$0xFFFFFFC0] =	vst v3;
	v0 =	vld.idx.msk [tilespmem:v9+s3+$0x0], $0xffff  }
.Ltmp1:
0x9e: {  	[tilespmem:s23+$0xFFFFFFD0] =	vst v4;
	v1 =	vld.idx.msk [tilespmem:v10+s3+$0x0], $0xffff;
	(pc) =	sbr.rel @p0 .LBB2_4-.Ltmp1, $4  }
0x9f: {  	[tilespmem:s23+$0xFFFFFFE0] =	vst v5;
	v2 =	vld.idx.msk [tilespmem:v11+s3+$0x0], $0xffff  }
0xa0: {  	[tilespmem:s23+$0xFFFFFFF0] =	vst v7;
	v3 =	vld.idx.msk [tilespmem:v12+s3+$0x0], $0xffff  }
0xa1: {  	[tilespmem:s23+$0xFFFFFF80] =	vst v14;
	v4 =	vld.idx.msk [tilespmem:v13+s3+$0x0], $0xffff  }
0xa2: {  	s25 =	sadd.s32 $0x100, s25;
	[tilespmem:s23+$0x0] =	vst v8;
	v5 =	vld.idx.msk [tilespmem:v6+s3+$0x0], $0xffff  }
0xa3: {  	[tilespmem:s23+$0x10] =	vst v0  }
0xa4: {  	[tilespmem:s23+$0x20] =	vst v1  }
0xa5: {  	[tilespmem:s23+$0x30] =	vst v2  }
0xa6: {  	[tilespmem:s23+$0x40] =	vst v3  }
0xa7: {  	[tilespmem:s23+$0x50] =	vst v4  }
0xa8: {  	[tilespmem:s23+$0x60] =	vst v5  }
0xa9: {  	[hbm4b:s8+s3] =	stream.linear.scatter [tilespmem:s19], [sflag:$0x4], $0x6400, $0x38;
	[tilespmem:$0x19080] =	vst v63  }
0xaa: {  	_ =	swait.ge [sflag:s15], $0x6400  }
0xab: {  	[sflag:s15] =	ssyncset.done $0x0  }
0xac: {  	[sflag:s15] =	ssyncadd.s32 $0xFFFF9C00  }
0xad: {  	[tilespmem:s16], [sflag:$0x2] =	stream.linear.gather [hbm4b:s9+s3], $0x6400, $0x38;
	[tilespmem:$0x19080] =	vst v63  }
0xae: {  	_ =	swait.ge [sflag:s20], $0x6400  }
0xaf: {  	[sflag:s20] =	ssyncset.done $0x0  }
0xb0: {  	s31 =	simm.s32 $0x100;
	[sflag:s20] =	ssyncadd.s32 $0xFFFF9C00  }
0xb1: {  	v0 =	vld [tilespmem:s31+$0x70]  }
0xb2: {  	v1 =	vld [tilespmem:s31+$0xFFFFFF90]  }
0xb3: {  	v2 =	vld [tilespmem:s31+$0xFFFFFFA0]  }
0xb4: {  	v3 =	vld [tilespmem:s31+$0xFFFFFFB0]  }
0xb5: {  	v4 =	vld [tilespmem:s31+$0xFFFFFFC0]  }
0xb6: {  	v5 =	vld [tilespmem:s31+$0xFFFFFFD0]  }
0xb7: {  	v6 =	vld [tilespmem:s31+$0xFFFFFFE0]  }
0xb8: {  	v7 =	vld [tilespmem:s31+$0xFFFFFFF0]  }
0xb9: {  	v8 =	vld [tilespmem:s31+$0x0]  }
0xba: {  	v9 =	vld [tilespmem:s31+$0x10]  }
0xbb: {  	v10 =	vld [tilespmem:s31+$0x20]  }
0xbc: {  	v11 =	vld [tilespmem:s31+$0x30]  }
0xbd: {  	v12 =	vld [tilespmem:s31+$0x40]  }
0xbe: {  	v13 =	vld [tilespmem:s31+$0x50]  }
0xbf: {  	v14 =	vld [tilespmem:s31+$0x60]  }
0xc0: {  	v15 =	vld [tilespmem:s31+$0xFFFFFF80]  }
0xc1: {  	v0 =	vld.idx.msk [tilespmem:v0+s3+$0x0], $0xffff  }
0xc2: {  	v1 =	vld.idx.msk [tilespmem:v1+s3+$0x0], $0xffff  }
0xc3: {  	v2 =	vld.idx.msk [tilespmem:v2+s3+$0x0], $0xffff  }
0xc4: {  	v3 =	vld.idx.msk [tilespmem:v3+s3+$0x0], $0xffff  }
0xc5: {  	v4 =	vld.idx.msk [tilespmem:v4+s3+$0x0], $0xffff  }
0xc6: {  	s23 =	simm.s32 $0xC900;
	v5 =	vld.idx.msk [tilespmem:v5+s3+$0x0], $0xffff  }
0xc7: {  	v6 =	vld.idx.msk [tilespmem:v6+s3+$0x0], $0xffff;
	[tilespmem:s23+$0x70] =	vst v0  }
0xc8: {  	v7 =	vld.idx.msk [tilespmem:v7+s3+$0x0], $0xffff;
	[tilespmem:s23+$0xFFFFFF90] =	vst v1  }
0xc9: {  	v15 =	vld.idx.msk [tilespmem:v15+s3+$0x0], $0xffff;
	[tilespmem:s23+$0xFFFFFFA0] =	vst v2  }
0xca: {  	v8 =	vld.idx.msk [tilespmem:v8+s3+$0x0], $0xffff;
	[tilespmem:s23+$0xFFFFFFB0] =	vst v3  }
0xcb: {  	[tilespmem:s23+$0xFFFFFFC0] =	vst v4;
	v0 =	vld.idx.msk [tilespmem:v9+s3+$0x0], $0xffff  }
0xcc: {  	[tilespmem:s23+$0xFFFFFFD0] =	vst v5;
	v1 =	vld.idx.msk [tilespmem:v10+s3+$0x0], $0xffff  }
0xcd: {  	[tilespmem:s23+$0xFFFFFFE0] =	vst v6;
	v2 =	vld.idx.msk [tilespmem:v11+s3+$0x0], $0xffff  }
0xce: {  	[tilespmem:s23+$0xFFFFFFF0] =	vst v7;
	v3 =	vld.idx.msk [tilespmem:v12+s3+$0x0], $0xffff  }
0xcf: {  	[tilespmem:s23+$0xFFFFFF80] =	vst v15;
	v4 =	vld.idx.msk [tilespmem:v13+s3+$0x0], $0xffff  }
0xd0: {  	s24 =	simm.s32 $0x0;
	s25 =	simm.s32 $0x200;
	[tilespmem:s23+$0x0] =	vst v8;
	v5 =	vld.idx.msk [tilespmem:v14+s3+$0x0], $0xffff  }
.LBB2_6:
0xd1: {  	v6 =	vld [tilespmem:s25+$0x70];
	s24 =	sadd.s32 $0x100, s24;
	[tilespmem:s23+$0x10] =	vst v0  }
0xd2: {  	v0 =	vld [tilespmem:s25+$0xFFFFFF90];
	p0 =	slt.u32 s24, $0x6300;
	[tilespmem:s23+$0x20] =	vst v1  }
0xd3: {  	v1 =	vld [tilespmem:s25+$0xFFFFFFA0];
	[tilespmem:s23+$0x30] =	vst v2  }
0xd4: {  	v2 =	vld [tilespmem:s25+$0xFFFFFFB0];
	[tilespmem:s23+$0x40] =	vst v3  }
0xd5: {  	v3 =	vld [tilespmem:s25+$0xFFFFFFC0];
	[tilespmem:s23+$0x50] =	vst v4  }
0xd6: {  	v4 =	vld [tilespmem:s25+$0xFFFFFFD0];
	[tilespmem:s23+$0x60] =	vst v5  }
0xd7: {  	v5 =	vld [tilespmem:s25+$0xFFFFFFE0]  }
0xd8: {  	v7 =	vld [tilespmem:s25+$0xFFFFFFF0]  }
0xd9: {  	v6 =	vld.idx.msk [tilespmem:v6+s3+$0x0], $0xffff  }
0xda: {  	v8 =	vld [tilespmem:s25+$0x0]  }
0xdb: {  	v9 =	vld [tilespmem:s25+$0x10]  }
0xdc: {  	v10 =	vld [tilespmem:s25+$0x20]  }
0xdd: {  	v11 =	vld [tilespmem:s25+$0x30]  }
0xde: {  	s23 =	sadd.s32 $0x100, s23;
	v12 =	vld [tilespmem:s25+$0x40]  }
0xdf: {  	v13 =	vld [tilespmem:s25+$0x50];
	[tilespmem:s23+$0x70] =	vst v6  }
0xe0: {  	v6 =	vld [tilespmem:s25+$0x60]  }
0xe1: {  	v14 =	vld [tilespmem:s25+$0xFFFFFF80]  }
0xe2: {  	v0 =	vld.idx.msk [tilespmem:v0+s3+$0x0], $0xffff  }
0xe3: {  	v1 =	vld.idx.msk [tilespmem:v1+s3+$0x0], $0xffff  }
0xe4: {  	v2 =	vld.idx.msk [tilespmem:v2+s3+$0x0], $0xffff  }
0xe5: {  	v3 =	vld.idx.msk [tilespmem:v3+s3+$0x0], $0xffff  }
0xe6: {  	v4 =	vld.idx.msk [tilespmem:v4+s3+$0x0], $0xffff  }
0xe7: {  	v5 =	vld.idx.msk [tilespmem:v5+s3+$0x0], $0xffff  }
0xe8: {  	[tilespmem:s23+$0xFFFFFF90] =	vst v0;
	v7 =	vld.idx.msk [tilespmem:v7+s3+$0x0], $0xffff  }
0xe9: {  	v14 =	vld.idx.msk [tilespmem:v14+s3+$0x0], $0xffff;
	[tilespmem:s23+$0xFFFFFFA0] =	vst v1  }
0xea: {  	[tilespmem:s23+$0xFFFFFFB0] =	vst v2;
	v8 =	vld.idx.msk [tilespmem:v8+s3+$0x0], $0xffff  }
0xeb: {  	[tilespmem:s23+$0xFFFFFFC0] =	vst v3;
	v0 =	vld.idx.msk [tilespmem:v9+s3+$0x0], $0xffff  }
.Ltmp2:
0xec: {  	[tilespmem:s23+$0xFFFFFFD0] =	vst v4;
	v1 =	vld.idx.msk [tilespmem:v10+s3+$0x0], $0xffff;
	(pc) =	sbr.rel @p0 .LBB2_6-.Ltmp2, $4  }
0xed: {  	[tilespmem:s23+$0xFFFFFFE0] =	vst v5;
	v2 =	vld.idx.msk [tilespmem:v11+s3+$0x0], $0xffff  }
0xee: {  	[tilespmem:s23+$0xFFFFFFF0] =	vst v7;
	v3 =	vld.idx.msk [tilespmem:v12+s3+$0x0], $0xffff  }
0xef: {  	[tilespmem:s23+$0xFFFFFF80] =	vst v14;
	v4 =	vld.idx.msk [tilespmem:v13+s3+$0x0], $0xffff  }
0xf0: {  	s25 =	sadd.s32 $0x100, s25;
	[tilespmem:s23+$0x0] =	vst v8;
	v5 =	vld.idx.msk [tilespmem:v6+s3+$0x0], $0xffff  }
0xf1: {  	[tilespmem:s23+$0x10] =	vst v0  }
0xf2: {  	[tilespmem:s23+$0x20] =	vst v1  }
0xf3: {  	[tilespmem:s23+$0x30] =	vst v2  }
0xf4: {  	[tilespmem:s23+$0x40] =	vst v3  }
0xf5: {  	[tilespmem:s23+$0x50] =	vst v4  }
0xf6: {  	[tilespmem:s23+$0x60] =	vst v5  }
0xf7: {  	[hbm4b:s10+s3] =	stream.linear.scatter [tilespmem:s17], [sflag:$0x3], $0x6400, $0x38;
	[tilespmem:$0x19080] =	vst v63  }
0xf8: {  	_ =	swait.ge [sflag:s18], $0x6400  }
0xf9: {  	[sflag:s18] =	ssyncset.done $0x0  }
0xfa: {  	[sflag:s18] =	ssyncadd.s32 $0xFFFF9C00  }
0xfb: {  	_ =	swait.ge [sflag:s21], $0x6400  }
0xfc: {  	[sflag:s21] =	ssyncset.done $0x0  }
0xfd: {  	s31 =	simm.s32 $0x6500;
	[sflag:s21] =	ssyncadd.s32 $0xFFFF9C00  }
0xfe: {  	v0 =	vld [tilespmem:s31+$0x70]  }
0xff: {  	v1 =	vld [tilespmem:s31+$0xFFFFFF90]  }
0x100: {  	v2 =	vld [tilespmem:s31+$0xFFFFFFA0]  }
0x101: {  	v3 =	vld [tilespmem:s31+$0xFFFFFFB0]  }
0x102: {  	v4 =	vld [tilespmem:s31+$0xFFFFFFC0]  }
0x103: {  	v5 =	vld [tilespmem:s31+$0xFFFFFFD0]  }
0x104: {  	v6 =	vld [tilespmem:s31+$0xFFFFFFE0]  }
0x105: {  	v7 =	vld [tilespmem:s31+$0xFFFFFFF0]  }
0x106: {  	v8 =	vld [tilespmem:s31+$0x0]  }
0x107: {  	v9 =	vld [tilespmem:s31+$0x10]  }
0x108: {  	v10 =	vld [tilespmem:s31+$0x20]  }
0x109: {  	v11 =	vld [tilespmem:s31+$0x30]  }
0x10a: {  	v12 =	vld [tilespmem:s31+$0x40]  }
0x10b: {  	v13 =	vld [tilespmem:s31+$0x50]  }
0x10c: {  	v14 =	vld [tilespmem:s31+$0x60]  }
0x10d: {  	v15 =	vld [tilespmem:s31+$0xFFFFFF80]  }
0x10e: {  	v0 =	vld.idx.msk [tilespmem:v0+s3+$0x0], $0xffff  }
0x10f: {  	v1 =	vld.idx.msk [tilespmem:v1+s3+$0x0], $0xffff  }
0x110: {  	v2 =	vld.idx.msk [tilespmem:v2+s3+$0x0], $0xffff  }
0x111: {  	v3 =	vld.idx.msk [tilespmem:v3+s3+$0x0], $0xffff  }
0x112: {  	v4 =	vld.idx.msk [tilespmem:v4+s3+$0x0], $0xffff  }
0x113: {  	s23 =	simm.s32 $0x12D00;
	v5 =	vld.idx.msk [tilespmem:v5+s3+$0x0], $0xffff  }
0x114: {  	v6 =	vld.idx.msk [tilespmem:v6+s3+$0x0], $0xffff;
	[tilespmem:s23+$0x70] =	vst v0  }
0x115: {  	v7 =	vld.idx.msk [tilespmem:v7+s3+$0x0], $0xffff;
	[tilespmem:s23+$0xFFFFFF90] =	vst v1  }
0x116: {  	v15 =	vld.idx.msk [tilespmem:v15+s3+$0x0], $0xffff;
	[tilespmem:s23+$0xFFFFFFA0] =	vst v2  }
0x117: {  	v8 =	vld.idx.msk [tilespmem:v8+s3+$0x0], $0xffff;
	[tilespmem:s23+$0xFFFFFFB0] =	vst v3  }
0x118: {  	[tilespmem:s23+$0xFFFFFFC0] =	vst v4;
	v0 =	vld.idx.msk [tilespmem:v9+s3+$0x0], $0xffff  }
0x119: {  	[tilespmem:s23+$0xFFFFFFD0] =	vst v5;
	v1 =	vld.idx.msk [tilespmem:v10+s3+$0x0], $0xffff  }
0x11a: {  	[tilespmem:s23+$0xFFFFFFE0] =	vst v6;
	v2 =	vld.idx.msk [tilespmem:v11+s3+$0x0], $0xffff  }
0x11b: {  	[tilespmem:s23+$0xFFFFFFF0] =	vst v7;
	v3 =	vld.idx.msk [tilespmem:v12+s3+$0x0], $0xffff  }
0x11c: {  	[tilespmem:s23+$0xFFFFFF80] =	vst v15;
	v4 =	vld.idx.msk [tilespmem:v13+s3+$0x0], $0xffff  }
0x11d: {  	s24 =	simm.s32 $0x0;
	s25 =	simm.s32 $0x6600;
	[tilespmem:s23+$0x0] =	vst v8;
	v5 =	vld.idx.msk [tilespmem:v14+s3+$0x0], $0xffff  }
.LBB2_8:
0x11e: {  	v6 =	vld [tilespmem:s25+$0x70];
	s24 =	sadd.s32 $0x100, s24;
	[tilespmem:s23+$0x10] =	vst v0  }
0x11f: {  	v0 =	vld [tilespmem:s25+$0xFFFFFF90];
	p0 =	slt.u32 s24, $0x6300;
	[tilespmem:s23+$0x20] =	vst v1  }
0x120: {  	v1 =	vld [tilespmem:s25+$0xFFFFFFA0];
	[tilespmem:s23+$0x30] =	vst v2  }
0x121: {  	v2 =	vld [tilespmem:s25+$0xFFFFFFB0];
	[tilespmem:s23+$0x40] =	vst v3  }
0x122: {  	v3 =	vld [tilespmem:s25+$0xFFFFFFC0];
	[tilespmem:s23+$0x50] =	vst v4  }
0x123: {  	v4 =	vld [tilespmem:s25+$0xFFFFFFD0];
	[tilespmem:s23+$0x60] =	vst v5  }
0x124: {  	v5 =	vld [tilespmem:s25+$0xFFFFFFE0]  }
0x125: {  	v7 =	vld [tilespmem:s25+$0xFFFFFFF0]  }
0x126: {  	v6 =	vld.idx.msk [tilespmem:v6+s3+$0x0], $0xffff  }
0x127: {  	v8 =	vld [tilespmem:s25+$0x0]  }
0x128: {  	v9 =	vld [tilespmem:s25+$0x10]  }
0x129: {  	v10 =	vld [tilespmem:s25+$0x20]  }
0x12a: {  	v11 =	vld [tilespmem:s25+$0x30]  }
0x12b: {  	s23 =	sadd.s32 $0x100, s23;
	v12 =	vld [tilespmem:s25+$0x40]  }
0x12c: {  	v13 =	vld [tilespmem:s25+$0x50];
	[tilespmem:s23+$0x70] =	vst v6  }
0x12d: {  	v6 =	vld [tilespmem:s25+$0x60]  }
0x12e: {  	v14 =	vld [tilespmem:s25+$0xFFFFFF80]  }
0x12f: {  	v0 =	vld.idx.msk [tilespmem:v0+s3+$0x0], $0xffff  }
0x130: {  	v1 =	vld.idx.msk [tilespmem:v1+s3+$0x0], $0xffff  }
0x131: {  	v2 =	vld.idx.msk [tilespmem:v2+s3+$0x0], $0xffff  }
0x132: {  	v3 =	vld.idx.msk [tilespmem:v3+s3+$0x0], $0xffff  }
0x133: {  	v4 =	vld.idx.msk [tilespmem:v4+s3+$0x0], $0xffff  }
0x134: {  	v5 =	vld.idx.msk [tilespmem:v5+s3+$0x0], $0xffff  }
0x135: {  	[tilespmem:s23+$0xFFFFFF90] =	vst v0;
	v7 =	vld.idx.msk [tilespmem:v7+s3+$0x0], $0xffff  }
0x136: {  	v14 =	vld.idx.msk [tilespmem:v14+s3+$0x0], $0xffff;
	[tilespmem:s23+$0xFFFFFFA0] =	vst v1  }
0x137: {  	[tilespmem:s23+$0xFFFFFFB0] =	vst v2;
	v8 =	vld.idx.msk [tilespmem:v8+s3+$0x0], $0xffff  }
0x138: {  	[tilespmem:s23+$0xFFFFFFC0] =	vst v3;
	v0 =	vld.idx.msk [tilespmem:v9+s3+$0x0], $0xffff  }
.Ltmp3:
0x139: {  	[tilespmem:s23+$0xFFFFFFD0] =	vst v4;
	v1 =	vld.idx.msk [tilespmem:v10+s3+$0x0], $0xffff;
	(pc) =	sbr.rel @p0 .LBB2_8-.Ltmp3, $4  }
0x13a: {  	[tilespmem:s23+$0xFFFFFFE0] =	vst v5;
	v2 =	vld.idx.msk [tilespmem:v11+s3+$0x0], $0xffff  }
0x13b: {  	[tilespmem:s23+$0xFFFFFFF0] =	vst v7;
	v3 =	vld.idx.msk [tilespmem:v12+s3+$0x0], $0xffff  }
0x13c: {  	[tilespmem:s23+$0xFFFFFF80] =	vst v14;
	v4 =	vld.idx.msk [tilespmem:v13+s3+$0x0], $0xffff  }
0x13d: {  	s25 =	sadd.s32 $0x100, s25;
	[tilespmem:s23+$0x0] =	vst v8;
	v5 =	vld.idx.msk [tilespmem:v6+s3+$0x0], $0xffff  }
0x13e: {  	[tilespmem:s23+$0x10] =	vst v0  }
0x13f: {  	[tilespmem:s23+$0x20] =	vst v1  }
0x140: {  	[tilespmem:s23+$0x30] =	vst v2  }
0x141: {  	[tilespmem:s23+$0x40] =	vst v3  }
0x142: {  	[tilespmem:s23+$0x50] =	vst v4  }
0x143: {  	s22 =	sadd.s32 $0x1, s22;
	[tilespmem:s23+$0x60] =	vst v5  }
0x144: {  	[hbm4b:s11+s3] =	stream.linear.scatter [tilespmem:s19], [sflag:$0x4], $0x6400, $0x38;
	[tilespmem:$0x19080] =	vst v63  }
0x145: {  	p0 =	sne.s32 s22, s12;
	_ =	swait.ge [sflag:s20], $0x6400  }
.Ltmp4:
0x146: {  	[sflag:s20] =	ssyncset.done $0x0;
	(pc) =	sbr.rel @p0 .LBB2_1-.Ltmp4, $4  }
0x147: {  	[sflag:s20] =	ssyncadd.s32 $0xFFFF9C00  }
0x148: {  	_ =	swait.ge [sflag:s21], $0x6400  }
0x149: {  	[sflag:s21] =	ssyncset.done $0x0  }
0x14a: {  	[sflag:s21] =	ssyncadd.s32 $0xFFFF9C00  }
0x14b: {  	_ =	sfence.sel $0x180000  }
0x14c: {  	[bflag:$0x0] =	sbarrier.arrive $0xFFFF  }
0x14d: {  	p0 =	sne.s32 s0, $0x0;
	_ =	strace $0x90000047  }
0x14e: {  	s0 =	sadd.s32 @!p0 $0x100000, s1;
	[bflag:$0x2] =	sbarrier.arrive $0xFFFF  }
0x14f: {  	[sflag:s0] =	ssyncadd.tile.s32 @!p0 $0x1;
	_ =	shalt  }
.Lfunc_end2:
_tile_overlayer_lowered:
.L_overlay_start_2:
0x150: {  	(tag) =	ssettag $0x2  }
0x151: {  	s0 =	rddreg [dreg:$0x0];
	s2 =	stileid.u32  }
0x152: {  	s1 =	rddreg [dreg:$0x1];
	p0 =	sne.s32 s2, $0x0  }
0x153: {  	s3 =	rddreg [dreg:$0x2];
	[bflag:$0x3] =	sbarrier.arrive $0xFFFF;
	s2 =	simm.s32 @!p0 $0x1C05  }
0x154: {  	[timem:s3], [sflag:s2] =	dma.local @!p0 [hbm:s0], s1  }
0x155: {  	s0 =	simm.s32 @!p0 $0x5  }
0x156: {  	_ =	swait.ge @!p0 [sflag:s0], s1  }
0x157: {  	s1 =	ssub.s32 @!p0 $0x0, s1;
	[sflag:s0] =	ssyncset.done @!p0 $0x0  }
0x158: {  	[sflag:s0] =	ssyncadd.s32 @!p0 s1  }
0x159: {  	[bflag:$0x3] =	sbarrier.arrive $0xFFFF  }
0x15a: {  	_ =	shalt  }

</sc_bundles>
